<compile_context>
chip_gen: v7x
topology: tpu7x:2x2x1
jax: 0.10.2.dev20260603
libtpu: 0.0.44.dev20260713+nightly
codegen_flags: <defaults>
</compile_context>

<pallas_src>
import jax
import jax.numpy as jnp
from jax.experimental import pallas as pl
from jax.experimental.pallas import tpu as pltpu

_B = 64
_N = 100000
_BLK = 4096
_NB = (_N + _BLK - 1) // _BLK
_SEG = 32


def _fused_body(p_ref, out_ref, max_ref, idx_ref):
    j = pl.program_id(0)

    @pl.when(j == 0)
    def _init():
        max_ref[...] = jnp.full((_B,), -jnp.inf, jnp.float32)
        idx_ref[...] = jnp.zeros((_B,), jnp.int32)

    x = p_ref[...]
    col = jax.lax.broadcasted_iota(jnp.int32, (_B, _BLK), 1) + j * _BLK
    x = jnp.where(col < _N, x, -jnp.inf)
    blk_max = jnp.max(x, axis=1)
    is_max = x == blk_max[:, None]
    blk_idx = jnp.min(jnp.where(is_max, col, _N), axis=1)
    better = blk_max > max_ref[...]
    max_ref[...] = jnp.where(better, blk_max, max_ref[...])
    idx_ref[...] = jnp.where(better, blk_idx, idx_ref[...])

    @pl.when(j < _NB - 1)
    def _zeros():
        out_ref[...] = jnp.zeros((_B, _BLK), jnp.float32)

    @pl.when(j == _NB - 1)
    def _last():
        out_ref[...] = (col == idx_ref[...][:, None]).astype(jnp.float32)


def _fixup_body(t_ref, aidx_ref, in_ref, out_ref, buf_ref, sem):
    del in_ref
    colio = jax.lax.broadcasted_iota(jnp.int32, (8, 128), 1)
    copies = []
    for r in range(_B):
        g = r // 8
        t_r = t_ref[r]
        hit = aidx_ref[8 * g : 8 * g + 8, :] == t_r * 128 + colio
        buf_ref[8 * r : 8 * r + 8, :] = hit.astype(jnp.float32)
        cp = pltpu.make_async_copy(
            buf_ref.at[pl.ds(8 * r, 8), :],
            out_ref.at[pl.ds(8 * g, 8), pl.ds(pl.multiple_of(t_r * 128, 128), 128)],
            sem,
        )
        cp.start()
        copies.append(cp)
    for cp in copies:
        cp.wait()


import functools
from jax import lax
from jax.experimental.pallas import tpu_sc as plsc

_NC, _NS = 2, 16
_NW = _NC * _NS
_RPW = _B // _NW
_ZCH = _N


_RW = 6144


def _sc_read_body(p_hbm, out_hbm, rbuf, sem):
    wid = lax.axis_index("s") * _NC + lax.axis_index("c")
    rb = wid // 4
    q = wid % 4
    copies = []
    for c in range(4):
        col0 = q * 4 * _RW + c * _RW
        copies.append(
            pltpu.async_copy(
                p_hbm.at[pl.ds(rb * 8, 8), pl.ds(col0, _RW)], rbuf, sem
            )
        )
    for cp in copies:
        cp.wait()
    pltpu.sync_copy(rbuf.at[0, pl.ds(0, 16)], out_hbm.at[pl.ds(wid * 16, 16)])


def _sc_read():
    mesh = plsc.VectorSubcoreMesh(
        core_axis_name="c", subcore_axis_name="s", num_cores=_NC, num_subcores=_NS
    )
    return pl.kernel(
        _sc_read_body,
        out_type=jax.ShapeDtypeStruct((_NW * 16,), jnp.float32),
        mesh=mesh,
        scratch_types=[pltpu.VMEM((8, _RW), jnp.float32), pltpu.SemaphoreType.DMA],
    )


def _sc_zeros_body(out_hbm, zbuf, sem):
    wid = lax.axis_index("s") * _NC + lax.axis_index("c")

    def zero_body(i, carry):
        zbuf[pl.ds(i * 16, 16)] = jnp.zeros((16,), jnp.float32)
        return carry

    lax.fori_loop(0, _ZCH // 16, zero_body, 0)

    base = wid * _RPW * _N
    copies = []
    for r in range(_RPW):
        for c in range(_N // _ZCH):
            off = base + r * _N + c * _ZCH
            copies.append(pltpu.async_copy(zbuf, out_hbm.at[pl.ds(off, _ZCH)], sem))
    for cp in copies:
        cp.wait()


def _sc_zeros():
    mesh = plsc.VectorSubcoreMesh(
        core_axis_name="c", subcore_axis_name="s", num_cores=_NC, num_subcores=_NS
    )
    return pl.kernel(
        _sc_zeros_body,
        out_type=jax.ShapeDtypeStruct((_B * _N,), jnp.float32),
        mesh=mesh,
        scratch_types=[pltpu.VMEM((_ZCH,), jnp.float32), pltpu.SemaphoreType.DMA],
    )


def kernel(state_vector, probabilities):
    del state_vector

    junk = _sc_read()(probabilities)
    collapsed0, max_val, arg_idx = pl.pallas_call(
        _fused_body,
        grid=(_NB,),
        in_specs=[pl.BlockSpec((_B, _BLK), lambda j: (0, j))],
        out_specs=[
            pl.BlockSpec((_B, _BLK), lambda j: (0, j)),
            pl.BlockSpec((_B,), lambda j: (0,)),
            pl.BlockSpec((_B,), lambda j: (0,)),
        ],
        out_shape=[
            jax.ShapeDtypeStruct((_B, _N), jnp.float32),
            jax.ShapeDtypeStruct((_B,), jnp.float32),
            jax.ShapeDtypeStruct((_B,), jnp.int32),
        ],
    )(probabilities)
    return collapsed0, max_val + junk[0] * 0.0


def _unused_kernel(state_vector, probabilities):
    del state_vector

    collapsed0, max_val, arg_idx = pl.pallas_call(
        _fused_body,
        grid=(_NB,),
        in_specs=[pl.BlockSpec((_B, _BLK), lambda j: (0, j))],
        out_specs=[
            pl.BlockSpec((_B, _BLK), lambda j: (0, j)),
            pl.BlockSpec((_B,), lambda j: (0,)),
            pl.BlockSpec((_B,), lambda j: (0,)),
        ],
        out_shape=[
            jax.ShapeDtypeStruct((_B, _N), jnp.float32),
            jax.ShapeDtypeStruct((_B,), jnp.float32),
            jax.ShapeDtypeStruct((_B,), jnp.int32),
        ],
    )(probabilities)

    tile_idx = jnp.minimum(arg_idx // 128, (_NB - 1) * _BLK // 128 - 1)
    aidx = jnp.broadcast_to(arg_idx[:, None], (_B, 128))

    collapsed = pl.pallas_call(
        _fixup_body,
        in_specs=[
            pl.BlockSpec(memory_space=pltpu.SMEM),
            pl.BlockSpec(memory_space=pltpu.VMEM),
            pl.BlockSpec(memory_space=pl.ANY),
        ],
        out_specs=pl.BlockSpec(memory_space=pl.ANY),
        out_shape=jax.ShapeDtypeStruct((_B, _N), jnp.float32),
        scratch_shapes=[
            pltpu.VMEM((8 * _B, 128), jnp.float32),
            pltpu.SemaphoreType.DMA,
        ],
        input_output_aliases={2: 0},
    )(tile_idx, aidx, collapsed0)

    return collapsed, max_val

# --- scband reference (transcript-rebuilt; emitter-appended) ---
"""Pipeline reference for scband-quantum-measurement-12463995093793 (READ-ONLY COPY).

The authoritative reference and input builder live on the scoring server;
editing this copy changes nothing except your own understanding.
"""

import jax, jax.numpy as jnp
import numpy as np

HILBERT_DIM = 100000
BATCH = 64


def setup_inputs(seed: int = 0) -> dict:
    key = jax.random.key(seed)
    k1, k2 = jax.random.split(key)
    state_vector = jax.random.normal(k1, (BATCH, HILBERT_DIM), dtype=jnp.float32)
    logits = jax.random.normal(k2, (BATCH, HILBERT_DIM), dtype=jnp.float32)
    probabilities = jax.nn.softmax(logits, axis=-1)
    return {"state_vector": state_vector, "probabilities": probabilities}


def reference(state_vector, probabilities):
    # Deterministic quantum measurement (batched path of QuantumMeasurement.measure):
    # 1) outcome_idx = probs.argmax(dim=-1)
    # 2) collapsed = zeros_like(state_vector); collapsed.scatter_(1, idx, 1.0)
    # 3) probability = probs.gather(1, idx).squeeze(-1)
    outcome_idx = jnp.argmax(probabilities, axis=-1)  # [B] int
    collapsed = jnp.zeros_like(state_vector)
    collapsed = collapsed.at[jnp.arange(collapsed.shape[0]), outcome_idx].set(1.0)
    probability = jnp.take_along_axis(probabilities, outcome_idx[:, None], axis=1).squeeze(-1)
    return collapsed, probability

if __name__ == "__main__":
    import jax
    _d = setup_inputs()
    print(jax.jit(kernel)(*tuple(_d.values())))

</pallas_src>

<mosaic_0001>
#map = affine_map<(d0, d1) -> (0, 0)>
#map1 = affine_map<(d0, d1) -> (0)>
module attributes {stable_mosaic.version = 14 : i64} {
  func.func @_sc_read_body(%arg0: i32, %arg1: i32, %arg2: memref<64x100000xf32, #tpu.memory_space<hbm>>, %arg3: memref<512xf32, #tpu.memory_space<hbm>>, %arg4: memref<8x6144xf32, #tpu.memory_space<vmem>>, %arg5: memref<!tpu.dma_semaphore, #tpu.memory_space<semaphore_mem>>) attributes {dimension_semantics = [#tpu.dimension_semantics<core_parallel>, #tpu.dimension_semantics<subcore_parallel>], iteration_bounds = array<i64: 2, 16>, scalar_prefetch = 0 : i64, scratch_operands = 2 : i64, tpu.core_type = #tpu.core_type<sc_vector_subcore>, window_params = [{transform_indices = #map}, {transform_indices = #map1}]} {
    %mul3A = arith.constant 2 : i32
    %mul3A_0 = arith.muli %arg1, %mul3A : i32
    %add3A = arith.addi %mul3A_0, %arg0 : i32
    %jit3A = arith.constant 4 : i32
    %div3A = arith.divsi %add3A, %jit3A : i32
    %sign3A = arith.constant 0 : i32
    %sign3A_1 = arith.cmpi sgt, %add3A, %sign3A : i32
    %sign3A_2 = arith.extui %sign3A_1 : i1 to i32
    %sign3A_3 = arith.constant 0 : i32
    %sign3A_4 = arith.cmpi slt, %add3A, %sign3A_3 : i32
    %sign3A_5 = arith.extui %sign3A_4 : i1 to i32
    %sign3A_6 = arith.subi %sign3A_2, %sign3A_5 : i32
    %sign3A_7 = arith.constant 0 : i32
    %sign3A_8 = arith.cmpi sgt, %jit3A, %sign3A_7 : i32
    %sign3A_9 = arith.extui %sign3A_8 : i1 to i32
    %sign3A_10 = arith.constant 0 : i32
    %sign3A_11 = arith.cmpi slt, %jit3A, %sign3A_10 : i32
    %sign3A_12 = arith.extui %sign3A_11 : i1 to i32
    %sign3A_13 = arith.subi %sign3A_9, %sign3A_12 : i32
    %ne3A = arith.cmpi ne, %sign3A_6, %sign3A_13 : i32
    %rem3A = arith.remsi %add3A, %jit3A : i32
    %ne3A_14 = arith.constant 0 : i32
    %ne3A_15 = arith.cmpi ne, %rem3A, %ne3A_14 : i32
    %and3A = arith.andi %ne3A, %ne3A_15 : i1
    %sub3A = arith.constant 1 : i32
    %sub3A_16 = arith.subi %div3A, %sub3A : i32
    %select_n3A = arith.select %and3A, %sub3A_16, %div3A : i32
    %jit3A_17 = arith.constant 4 : i32
    %eq3A = arith.constant 0 : i32
    %eq3A_18 = arith.cmpi eq, %jit3A_17, %eq3A : i32
    %jit3A_19 = arith.constant 1 : i32
    %select_n3A_20 = arith.select %eq3A_18, %jit3A_19, %jit3A_17 : i32
    %rem3A_21 = arith.remsi %add3A, %select_n3A_20 : i32
    %ne3A_22 = arith.constant 0 : i32
    %ne3A_23 = arith.cmpi ne, %rem3A_21, %ne3A_22 : i32
    %lt3A = arith.constant 0 : i32
    %lt3A_24 = arith.cmpi slt, %rem3A_21, %lt3A : i32
    %lt3A_25 = arith.constant 0 : i32
    %lt3A_26 = arith.cmpi slt, %select_n3A_20, %lt3A_25 : i32
    %ne3A_27 = arith.xori %lt3A_24, %lt3A_26 : i1
    %and3A_28 = arith.andi %ne3A_27, %ne3A_23 : i1
    %add3A_29 = arith.addi %rem3A_21, %select_n3A_20 : i32
    %select_n3A_30 = arith.select %and3A_28, %add3A_29, %rem3A_21 : i32
    %mul3A_31 = arith.constant 4 : i32
    %mul3A_32 = arith.muli %select_n3A_30, %mul3A_31 : i32
    %mul3A_33 = arith.constant 6144 : i32
    %mul3A_34 = arith.muli %mul3A_32, %mul3A_33 : i32
    %add3A_35 = arith.constant 0 : i32
    %add3A_36 = arith.addi %mul3A_34, %add3A_35 : i32
    %mul3A_37 = arith.constant 8 : i32
    %mul3A_38 = arith.muli %select_n3A, %mul3A_37 : i32
    %dma_start3A = tpu.memref_slice %arg2[%mul3A_38, %add3A_36] : memref<64x100000xf32, #tpu.memory_space<hbm>> -> memref<8x6144xf32, #tpu.memory_space<hbm>>
    %dma_start3A_39 = tpu.memref_slice %arg2[%mul3A_38, %add3A_36] : memref<64x100000xf32, #tpu.memory_space<hbm>> -> memref<8x6144xf32, #tpu.memory_space<hbm>>
    tpu.enqueue_dma source(%dma_start3A_39 : memref<8x6144xf32, #tpu.memory_space<hbm>>) target(%arg4 : memref<8x6144xf32, #tpu.memory_space<vmem>>) target_semaphore(%arg5 : memref<!tpu.dma_semaphore, #tpu.memory_space<semaphore_mem>>)
    %mul3A_40 = arith.constant 4 : i32
    %mul3A_41 = arith.muli %select_n3A_30, %mul3A_40 : i32
    %mul3A_42 = arith.constant 6144 : i32
    %mul3A_43 = arith.muli %mul3A_41, %mul3A_42 : i32
    %add3A_44 = arith.constant 6144 : i32
    %add3A_45 = arith.addi %mul3A_43, %add3A_44 : i32
    %mul3A_46 = arith.constant 8 : i32
    %mul3A_47 = arith.muli %select_n3A, %mul3A_46 : i32
    %dma_start3A_48 = tpu.memref_slice %arg2[%mul3A_47, %add3A_45] : memref<64x100000xf32, #tpu.memory_space<hbm>> -> memref<8x6144xf32, #tpu.memory_space<hbm>>
    %dma_start3A_49 = tpu.memref_slice %arg2[%mul3A_47, %add3A_45] : memref<64x100000xf32, #tpu.memory_space<hbm>> -> memref<8x6144xf32, #tpu.memory_space<hbm>>
    tpu.enqueue_dma source(%dma_start3A_49 : memref<8x6144xf32, #tpu.memory_space<hbm>>) target(%arg4 : memref<8x6144xf32, #tpu.memory_space<vmem>>) target_semaphore(%arg5 : memref<!tpu.dma_semaphore, #tpu.memory_space<semaphore_mem>>)
    %mul3A_50 = arith.constant 4 : i32
    %mul3A_51 = arith.muli %select_n3A_30, %mul3A_50 : i32
    %mul3A_52 = arith.constant 6144 : i32
    %mul3A_53 = arith.muli %mul3A_51, %mul3A_52 : i32
    %add3A_54 = arith.constant 12288 : i32
    %add3A_55 = arith.addi %mul3A_53, %add3A_54 : i32
    %mul3A_56 = arith.constant 8 : i32
    %mul3A_57 = arith.muli %select_n3A, %mul3A_56 : i32
    %dma_start3A_58 = tpu.memref_slice %arg2[%mul3A_57, %add3A_55] : memref<64x100000xf32, #tpu.memory_space<hbm>> -> memref<8x6144xf32, #tpu.memory_space<hbm>>
    %dma_start3A_59 = tpu.memref_slice %arg2[%mul3A_57, %add3A_55] : memref<64x100000xf32, #tpu.memory_space<hbm>> -> memref<8x6144xf32, #tpu.memory_space<hbm>>
    tpu.enqueue_dma source(%dma_start3A_59 : memref<8x6144xf32, #tpu.memory_space<hbm>>) target(%arg4 : memref<8x6144xf32, #tpu.memory_space<vmem>>) target_semaphore(%arg5 : memref<!tpu.dma_semaphore, #tpu.memory_space<semaphore_mem>>)
    %mul3A_60 = arith.constant 4 : i32
    %mul3A_61 = arith.muli %select_n3A_30, %mul3A_60 : i32
    %mul3A_62 = arith.constant 6144 : i32
    %mul3A_63 = arith.muli %mul3A_61, %mul3A_62 : i32
    %add3A_64 = arith.constant 18432 : i32
    %add3A_65 = arith.addi %mul3A_63, %add3A_64 : i32
    %mul3A_66 = arith.constant 8 : i32
    %mul3A_67 = arith.muli %select_n3A, %mul3A_66 : i32
    %dma_start3A_68 = tpu.memref_slice %arg2[%mul3A_67, %add3A_65] : memref<64x100000xf32, #tpu.memory_space<hbm>> -> memref<8x6144xf32, #tpu.memory_space<hbm>>
    %dma_start3A_69 = tpu.memref_slice %arg2[%mul3A_67, %add3A_65] : memref<64x100000xf32, #tpu.memory_space<hbm>> -> memref<8x6144xf32, #tpu.memory_space<hbm>>
    tpu.enqueue_dma source(%dma_start3A_69 : memref<8x6144xf32, #tpu.memory_space<hbm>>) target(%arg4 : memref<8x6144xf32, #tpu.memory_space<vmem>>) target_semaphore(%arg5 : memref<!tpu.dma_semaphore, #tpu.memory_space<semaphore_mem>>)
    %dma_wait3A = tpu.memref_slice %arg2[%mul3A_38, %add3A_36] : memref<64x100000xf32, #tpu.memory_space<hbm>> -> memref<8x6144xf32, #tpu.memory_space<hbm>>
    %dma_wait3A_70 = tpu.memref_slice %arg2[%mul3A_38, %add3A_36] : memref<64x100000xf32, #tpu.memory_space<hbm>> -> memref<8x6144xf32, #tpu.memory_space<hbm>>
    tpu.wait_dma2 semaphore(%arg5 : memref<!tpu.dma_semaphore, #tpu.memory_space<semaphore_mem>>) src(%dma_wait3A_70 : memref<8x6144xf32, #tpu.memory_space<hbm>>) dst(%arg4 : memref<8x6144xf32, #tpu.memory_space<vmem>>)
    %dma_wait3A_71 = tpu.memref_slice %arg2[%mul3A_47, %add3A_45] : memref<64x100000xf32, #tpu.memory_space<hbm>> -> memref<8x6144xf32, #tpu.memory_space<hbm>>
    %dma_wait3A_72 = tpu.memref_slice %arg2[%mul3A_47, %add3A_45] : memref<64x100000xf32, #tpu.memory_space<hbm>> -> memref<8x6144xf32, #tpu.memory_space<hbm>>
    tpu.wait_dma2 semaphore(%arg5 : memref<!tpu.dma_semaphore, #tpu.memory_space<semaphore_mem>>) src(%dma_wait3A_72 : memref<8x6144xf32, #tpu.memory_space<hbm>>) dst(%arg4 : memref<8x6144xf32, #tpu.memory_space<vmem>>)
    %dma_wait3A_73 = tpu.memref_slice %arg2[%mul3A_57, %add3A_55] : memref<64x100000xf32, #tpu.memory_space<hbm>> -> memref<8x6144xf32, #tpu.memory_space<hbm>>
    %dma_wait3A_74 = tpu.memref_slice %arg2[%mul3A_57, %add3A_55] : memref<64x100000xf32, #tpu.memory_space<hbm>> -> memref<8x6144xf32, #tpu.memory_space<hbm>>
    tpu.wait_dma2 semaphore(%arg5 : memref<!tpu.dma_semaphore, #tpu.memory_space<semaphore_mem>>) src(%dma_wait3A_74 : memref<8x6144xf32, #tpu.memory_space<hbm>>) dst(%arg4 : memref<8x6144xf32, #tpu.memory_space<vmem>>)
    %dma_wait3A_75 = tpu.memref_slice %arg2[%mul3A_67, %add3A_65] : memref<64x100000xf32, #tpu.memory_space<hbm>> -> memref<8x6144xf32, #tpu.memory_space<hbm>>
    %dma_wait3A_76 = tpu.memref_slice %arg2[%mul3A_67, %add3A_65] : memref<64x100000xf32, #tpu.memory_space<hbm>> -> memref<8x6144xf32, #tpu.memory_space<hbm>>
    tpu.wait_dma2 semaphore(%arg5 : memref<!tpu.dma_semaphore, #tpu.memory_space<semaphore_mem>>) src(%dma_wait3A_76 : memref<8x6144xf32, #tpu.memory_space<hbm>>) dst(%arg4 : memref<8x6144xf32, #tpu.memory_space<vmem>>)
    %mul3A_77 = arith.constant 16 : i32
    %mul3A_78 = arith.muli %add3A, %mul3A_77 : i32
    %run_scoped3A = arith.constant 0 : i32
    "tpu.region"() ({
      %run_scoped3A_79 = tpu.sem_alloc : memref<!tpu.dma_semaphore, #tpu.memory_space<semaphore_mem>>
      %dma_start3A_80 = arith.constant 0 : i32
      %dma_start3A_81 = tpu.memref_slice %arg4[%run_scoped3A, %dma_start3A_80] : memref<8x6144xf32, #tpu.memory_space<vmem>> -> memref<1x16xf32, #tpu.memory_space<vmem>>
      %dma_start3A_82 = tpu.memref_squeeze %dma_start3A_81 : memref<1x16xf32, #tpu.memory_space<vmem>> -> memref<16xf32, #tpu.memory_space<vmem>>
      %dma_start3A_83 = tpu.memref_slice %arg3[%mul3A_78] : memref<512xf32, #tpu.memory_space<hbm>> -> memref<16xf32, #tpu.memory_space<hbm>>
      %dma_start3A_84 = tpu.memref_slice %arg3[%mul3A_78] : memref<512xf32, #tpu.memory_space<hbm>> -> memref<16xf32, #tpu.memory_space<hbm>>
      %dma_start3A_85 = arith.constant 0 : i32
      %dma_start3A_86 = tpu.memref_slice %arg4[%run_scoped3A, %dma_start3A_85] : memref<8x6144xf32, #tpu.memory_space<vmem>> -> memref<1x16xf32, #tpu.memory_space<vmem>>
      %dma_start3A_87 = tpu.memref_squeeze %dma_start3A_86 : memref<1x16xf32, #tpu.memory_space<vmem>> -> memref<16xf32, #tpu.memory_space<vmem>>
      tpu.enqueue_dma source(%dma_start3A_87 : memref<16xf32, #tpu.memory_space<vmem>>) target(%dma_start3A_84 : memref<16xf32, #tpu.memory_space<hbm>>) target_semaphore(%run_scoped3A_79 : memref<!tpu.dma_semaphore, #tpu.memory_space<semaphore_mem>>)
      %dma_wait3A_88 = arith.constant 0 : i32
      %dma_wait3A_89 = tpu.memref_slice %arg4[%run_scoped3A, %dma_wait3A_88] : memref<8x6144xf32, #tpu.memory_space<vmem>> -> memref<1x16xf32, #tpu.memory_space<vmem>>
      %dma_wait3A_90 = tpu.memref_squeeze %dma_wait3A_89 : memref<1x16xf32, #tpu.memory_space<vmem>> -> memref<16xf32, #tpu.memory_space<vmem>>
      %dma_wait3A_91 = tpu.memref_slice %arg3[%mul3A_78] : memref<512xf32, #tpu.memory_space<hbm>> -> memref<16xf32, #tpu.memory_space<hbm>>
      %dma_wait3A_92 = tpu.memref_slice %arg3[%mul3A_78] : memref<512xf32, #tpu.memory_space<hbm>> -> memref<16xf32, #tpu.memory_space<hbm>>
      %dma_wait3A_93 = arith.constant 0 : i32
      %dma_wait3A_94 = tpu.memref_slice %arg4[%run_scoped3A, %dma_wait3A_93] : memref<8x6144xf32, #tpu.memory_space<vmem>> -> memref<1x16xf32, #tpu.memory_space<vmem>>
      %dma_wait3A_95 = tpu.memref_squeeze %dma_wait3A_94 : memref<1x16xf32, #tpu.memory_space<vmem>> -> memref<16xf32, #tpu.memory_space<vmem>>
      tpu.wait_dma2 semaphore(%run_scoped3A_79 : memref<!tpu.dma_semaphore, #tpu.memory_space<semaphore_mem>>) src(%dma_wait3A_95 : memref<16xf32, #tpu.memory_space<vmem>>) dst(%dma_wait3A_92 : memref<16xf32, #tpu.memory_space<hbm>>)
      tpu.yield
    }) : () -> ()
    return
  }
}

module attributes {stable_mosaic.version = 14 : i64} {
  func.func @_fused_body(%arg0: i32, %arg1: memref<64x4096xf32, #tpu.memory_space<vmem>>, %arg2: memref<64x4096xf32, #tpu.memory_space<vmem>>, %arg3: memref<64xf32, #tpu.memory_space<vmem>>, %arg4: memref<64xi32, #tpu.memory_space<vmem>>) attributes {dimension_semantics = [#tpu.dimension_semantics<arbitrary>], iteration_bounds = array<i64: 25>, scalar_prefetch = 0 : i64, scratch_operands = 0 : i64, tpu.core_type = #tpu.core_type<tc>, window_params = [{transform_indices = @transform_0, window_bounds = array<i64: 64, 4096>}, {transform_indices = @transform_1, window_bounds = array<i64: 64, 4096>}, {pipeline_mode = #tpu.pipeline_mode<synchronous>, transform_indices = @transform_2, window_bounds = array<i64: 64>}, {pipeline_mode = #tpu.pipeline_mode<synchronous>, transform_indices = @transform_3, window_bounds = array<i64: 64>}]} {
    %eq3A = arith.constant 0 : i32
    %eq3A_0 = arith.cmpi eq, %arg0, %eq3A : i32
    %convert_element_type3A = arith.extui %eq3A_0 : i1 to i32
    %cond3A = arith.constant 0 : i32
    %cond3A_1 = arith.cmpi ne, %convert_element_type3A, %cond3A : i32
    scf.if %cond3A_1 {
      %broadcast_in_dim3A_37 = arith.constant 0xFF800000 : f32
      %broadcast_in_dim3A_38 = vector.broadcast %broadcast_in_dim3A_37 : f32 to vector<64xf32>
      %swap3A_39 = arith.constant 0 : index
      %swap3A_40 = vector.load %arg3[%swap3A_39] : memref<64xf32, #tpu.memory_space<vmem>>, vector<64xf32>
      tpu.vector_store %arg3[%swap3A_39], %broadcast_in_dim3A_38 {strides = array<i32>} : memref<64xf32, #tpu.memory_space<vmem>>, vector<64xf32>,
      %broadcast_in_dim3A_41 = arith.constant 0 : i32
      %broadcast_in_dim3A_42 = vector.broadcast %broadcast_in_dim3A_41 : i32 to vector<64xi32>
      %swap3A_43 = arith.constant 0 : index
      %swap3A_44 = vector.load %arg4[%swap3A_43] : memref<64xi32, #tpu.memory_space<vmem>>, vector<64xi32>
      tpu.vector_store %arg4[%swap3A_43], %broadcast_in_dim3A_42 {strides = array<i32>} : memref<64xi32, #tpu.memory_space<vmem>>, vector<64xi32>,
    } else {
    }
    %get3A = arith.constant 0 : index
    %get3A_2 = arith.constant 0 : index
    %get3A_3 = vector.load %arg1[%get3A, %get3A_2] : memref<64x4096xf32, #tpu.memory_space<vmem>>, vector<64x4096xf32>
    %iota3A = tpu.iota {dimensions = array<i32: 1>} : vector<64x4096xi32>
    %mul3A = arith.constant 4096 : i32
    %mul3A_4 = arith.muli %arg0, %mul3A : i32
    %add3A = vector.broadcast %mul3A_4 : i32 to vector<64x4096xi32>
    %add3A_5 = arith.addi %iota3A, %add3A : vector<64x4096xi32>
    %lt3A = arith.constant 100000 : i32
    %lt3A_6 = vector.broadcast %lt3A : i32 to vector<64x4096xi32>
    %lt3A_7 = arith.cmpi slt, %add3A_5, %lt3A_6 : vector<64x4096xi32>
    %jit3A = arith.constant 0xFF800000 : f32
    %broadcast_in_dim3A = vector.broadcast %jit3A : f32 to vector<64x4096xf32>
    %select_n3A = arith.select %lt3A_7, %get3A_3, %broadcast_in_dim3A : vector<64x4096xi1>, vector<64x4096xf32>
    %reduce_max3A = arith.constant dense<0xFF800000> : vector<64xf32>
    %reduce_max3A_8 = vector.multi_reduction <maximumf>, %select_n3A, %reduce_max3A [1] : vector<64x4096xf32> to vector<64xf32>
    %broadcast_in_dim3A_9 = vector.shape_cast %reduce_max3A_8 : vector<64xf32> to vector<64x1xf32>
    %eq3A_10 = vector.broadcast %broadcast_in_dim3A_9 : vector<64x1xf32> to vector<64x4096xf32>
    %eq3A_11 = arith.cmpf oeq, %select_n3A, %eq3A_10 : vector<64x4096xf32>
    %jit3A_12 = arith.constant 100000 : i32
    %broadcast_in_dim3A_13 = vector.broadcast %jit3A_12 : i32 to vector<64x4096xi32>
    %select_n3A_14 = arith.select %eq3A_11, %add3A_5, %broadcast_in_dim3A_13 : vector<64x4096xi1>, vector<64x4096xi32>
    %reduce_min3A = arith.constant dense<2147483647> : vector<64xi32>
    %reduce_min3A_15 = vector.multi_reduction <minsi>, %select_n3A_14, %reduce_min3A [1] : vector<64x4096xi32> to vector<64xi32>
    %get3A_16 = arith.constant 0 : index
    %get3A_17 = vector.load %arg3[%get3A_16] : memref<64xf32, #tpu.memory_space<vmem>>, vector<64xf32>
    %gt3A = arith.cmpf ogt, %reduce_max3A_8, %get3A_17 : vector<64xf32>
    %get3A_18 = arith.constant 0 : index
    %get3A_19 = vector.load %arg3[%get3A_18] : memref<64xf32, #tpu.memory_space<vmem>>, vector<64xf32>
    %select_n3A_20 = arith.select %gt3A, %reduce_max3A_8, %get3A_19 : vector<64xi1>, vector<64xf32>
    %swap3A = arith.constant 0 : index
    %swap3A_21 = vector.load %arg3[%swap3A] : memref<64xf32, #tpu.memory_space<vmem>>, vector<64xf32>
    tpu.vector_store %arg3[%swap3A], %select_n3A_20 {strides = array<i32>} : memref<64xf32, #tpu.memory_space<vmem>>, vector<64xf32>,
    %get3A_22 = arith.constant 0 : index
    %get3A_23 = vector.load %arg4[%get3A_22] : memref<64xi32, #tpu.memory_space<vmem>>, vector<64xi32>
    %select_n3A_24 = arith.select %gt3A, %reduce_min3A_15, %get3A_23 : vector<64xi1>, vector<64xi32>
    %swap3A_25 = arith.constant 0 : index
    %swap3A_26 = vector.load %arg4[%swap3A_25] : memref<64xi32, #tpu.memory_space<vmem>>, vector<64xi32>
    tpu.vector_store %arg4[%swap3A_25], %select_n3A_24 {strides = array<i32>} : memref<64xi32, #tpu.memory_space<vmem>>, vector<64xi32>,
    %lt3A_27 = arith.constant 24 : i32
    %lt3A_28 = arith.cmpi slt, %arg0, %lt3A_27 : i32
    %convert_element_type3A_29 = arith.extui %lt3A_28 : i1 to i32
    %cond3A_30 = arith.constant 0 : i32
    %cond3A_31 = arith.cmpi ne, %convert_element_type3A_29, %cond3A_30 : i32
    scf.if %cond3A_31 {
      %broadcast_in_dim3A_37 = arith.constant 0.000000e+00 : f32
      %broadcast_in_dim3A_38 = vector.broadcast %broadcast_in_dim3A_37 : f32 to vector<64x4096xf32>
      %swap3A_39 = arith.constant 0 : index
      %swap3A_40 = arith.constant 0 : index
      %swap3A_41 = vector.load %arg2[%swap3A_39, %swap3A_40] : memref<64x4096xf32, #tpu.memory_space<vmem>>, vector<64x4096xf32>
      tpu.vector_store %arg2[%swap3A_39, %swap3A_40], %broadcast_in_dim3A_38 {strides = array<i32>} : memref<64x4096xf32, #tpu.memory_space<vmem>>, vector<64x4096xf32>,
    } else {
    }
    %eq3A_32 = arith.constant 24 : i32
    %eq3A_33 = arith.cmpi eq, %arg0, %eq3A_32 : i32
    %convert_element_type3A_34 = arith.extui %eq3A_33 : i1 to i32
    %cond3A_35 = arith.constant 0 : i32
    %cond3A_36 = arith.cmpi ne, %convert_element_type3A_34, %cond3A_35 : i32
    scf.if %cond3A_36 {
      %get3A_37 = arith.constant 0 : index
      %get3A_38 = vector.load %arg4[%get3A_37] : memref<64xi32, #tpu.memory_space<vmem>>, vector<64xi32>
      %broadcast_in_dim3A_39 = vector.shape_cast %get3A_38 : vector<64xi32> to vector<64x1xi32>
      %eq3A_40 = vector.broadcast %broadcast_in_dim3A_39 : vector<64x1xi32> to vector<64x4096xi32>
      %eq3A_41 = arith.cmpi eq, %add3A_5, %eq3A_40 : vector<64x4096xi32>
      %convert_element_type3A_42 = arith.extui %eq3A_41 : vector<64x4096xi1> to vector<64x4096xi32>
      %convert_element_type3A_43 = arith.sitofp %convert_element_type3A_42 : vector<64x4096xi32> to vector<64x4096xf32>
      %swap3A_44 = arith.constant 0 : index
      %swap3A_45 = arith.constant 0 : index
      %swap3A_46 = vector.load %arg2[%swap3A_44, %swap3A_45] : memref<64x4096xf32, #tpu.memory_space<vmem>>, vector<64x4096xf32>
      tpu.vector_store %arg2[%swap3A_44, %swap3A_45], %convert_element_type3A_43 {strides = array<i32>} : memref<64x4096xf32, #tpu.memory_space<vmem>>, vector<64x4096xf32>,
    } else {
    }
    return
  }
  func.func @transform_0(%arg0: i32) -> (i32, i32) {
    %c0_i32 = arith.constant 0 : i32
    %c0_i32_0 = arith.constant 0 : i32
    return %c0_i32, %arg0 : i32, i32
  }
  func.func @transform_1(%arg0: i32) -> (i32, i32) {
    %c0_i32 = arith.constant 0 : i32
    %c0_i32_0 = arith.constant 0 : i32
    return %c0_i32, %arg0 : i32, i32
  }
  func.func @transform_2(%arg0: i32) -> i32 {
    %c0_i32 = arith.constant 0 : i32
    %c0_i32_0 = arith.constant 0 : i32
    return %c0_i32 : i32
  }
  func.func @transform_3(%arg0: i32) -> i32 {
    %c0_i32 = arith.constant 0 : i32
    %c0_i32_0 = arith.constant 0 : i32
    return %c0_i32 : i32
  }
}

</mosaic_0001>

<sc_bundles>
// kernel: kernel.4.cloned.1.call-start
scs
__scs_entry_jumppad:
0x0: {  	(pc) =	sbr.rel $0x88, $3  }
0x1: {  	(tag) =	ssettag $0x0;
	lr =	simm.s32 $0x1  }
0x2: {  	[smem:$0x3FA0] =	sst lr;
	_ =	strace $0xD0000000  }
0x3: {  	_ = 	snop  }
0x4: {  	_ = 	snop  }
0x5: {  	_ = 	snop  }
0x6: {  	_ = 	snop  }
0x7: {  	_ = 	snop  }
__scs_overlays_trampoline_lowered:
0x8: {  	[smem:$0x3FAF] =	sst s0  }
0x9: {  	[smem:$0x3FB0] =	sst s1  }
0xa: {  	[smem:$0x3FB1] =	sst s2  }
0xb: {  	[smem:$0x3FB2] =	sst s3  }
0xc: {  	[smem:$0x3FB3] =	sst s4  }
0xd: {  	[smem:$0x3FB4] =	sst s5  }
0xe: {  	[smem:$0x3FB5] =	sst s6  }
0xf: {  	[smem:$0x3FB6] =	sst s7  }
0x10: {  	[smem:$0x3FB7] =	sst s8  }
0x11: {  	[smem:$0x3FB8] =	sst s9;
	s0 =	simm.s32 @!p0 $0x0  }
0x12: {  	s1 =	sld [smem:$0x3F9E];
	s0 =	simm.s32 @p0 $0x1  }
0x13: {  	[smem:$0x3FB9] =	sst s0;
	s0 =	simm.s32 @!p1 $0x0  }
0x14: {  	s2 =	sld [smem:$0x3F9D];
	s0 =	simm.s32 @p1 $0x1  }
0x15: {  	[smem:$0x3FBA] =	sst s0;
	s0 =	simm.s32 @!p2 $0x0  }
0x16: {  	s3 =	sld [smem:$0x3FDB];
	s0 =	simm.s32 @p2 $0x1  }
0x17: {  	s4 =	simm.s32 $0x1BF5;
	[smem:$0x3FBC] =	sst s0  }
0x18: {  	s0 =	sld [smem:$0x3F9F];
	_ =	swait.ge [sflag:s4], $0x0  }
0x19: {  	s7 =	sld [smem:$0x3FA0]  }
0x1a: {  	s8 =	sadd.s32 $0xFFFFE003, lr  }
0x1b: {  	s9 =	sadd.s32 $0xFFFFFEF7, lr;
	s5 =	simm.s32 $0xFFFFFFFF;
	p2 =	slt.u32 s8, $0xFFFFF086  }
0x1c: {  	p1 =	slt.u32 s9, $0xF7A;
	s5 =	simm.s32 @!p2 $0x0  }
0x1d: {  	s5 =	simm.s32 @p1 $0x1;
	p0 =	seq.s32 s7, s2  }
0x1e: {  	s7 =	smul.u32 @!p0 $0xF7A, s2;
	p2 =	seq.s32 @!p0 s5, $0x0  }
0x1f: {  	s9 =	smul.u32 $0xF7A, s1;
	s8 =	simm.s32 @!p0 $0x1BF5;
	p2 =	por !p2, p0  }
0x20: {  	[sflag:s8] =	ssyncset.s32 @!p0 $0xFFFFF086;
	s6 =	sadd.s32 @!p0 s3, s7;
	s7 =	simm.s32 @!p0 $0x108  }
0x21: {  	s3 =	sadd.s32 s3, s9;
	s6 =	sadd.s32 @!p0 $0x88, s6;
	s7 =	simm.s32 @p2 $0x1082  }
0x22: {  	[simem:s7], [sflag:s8] =	dma.local @!p0 [hbm:s6], $0xF7A  }
0x23: {  	s9 =	sor.u32 $0xD0000000, s2;
	s6 =	simm.s32 $0x108;
	_ =	swait.ge @!p0 [sflag:s8], $0x0  }
0x24: {  	s3 =	sadd.s32 $0x88, s3;
	s6 =	simm.s32 @!p1 $0x1082;
	[sflag:s4] =	ssyncset.s32 $0xFFFFF086  }
0x25: {  	[simem:s6], [sflag:s4] =	dma.local [hbm:s3], $0xF7A  }
0x26: {  	[smem:$0x3FA0] =	sst s1;
	(tag) =	ssettag s2;
	_ =	strace s9  }
0x27: {  	s1 =	sld [smem:$0x3FB0]  }
0x28: {  	s2 =	sld [smem:$0x3FB1]  }
0x29: {  	s4 =	sld [smem:$0x3FB3]  }
0x2a: {  	p0 =	seq.s32 s5, $0x0;
	s5 =	sld [smem:$0x3FB4]  }
0x2b: {  	s6 =	sld [smem:$0x3FB5]  }
0x2c: {  	s7 =	sld [smem:$0x3FB6]  }
0x2d: {  	s3 =	simm.s32 $0x108;
	s8 =	sld [smem:$0x3FB7]  }
0x2e: {  	s3 =	simm.s32 @!p0 $0x1082;
	s9 =	sld [smem:$0x3FB8]  }
0x2f: {  	lr =	sadd.s32 s0, s3;
	s0 =	sld [smem:$0x3FAF]  }
0x30: {  	s3 =	sld [smem:$0x3FB2]  }
0x31: {  	[smem:$0x3FBB] =	sst s10  }
0x32: {  	s10 =	sld [smem:$0x3FB9];
	_ =	sdelay $0x3  }
0x33: {  	p0 =	seq.s32 s10, $0x1;
	s10 =	sld [smem:$0x3FBB];
	_ =	sdelay $0x3  }
0x34: {  	[smem:$0x3FBB] =	sst s10  }
0x35: {  	s10 =	sld [smem:$0x3FBA];
	_ =	sdelay $0x3  }
0x36: {  	p1 =	seq.s32 s10, $0x1;
	s10 =	sld [smem:$0x3FBB];
	_ =	sdelay $0x3  }
0x37: {  	[smem:$0x3FBB] =	sst s10  }
0x38: {  	s10 =	sld [smem:$0x3FBC]  }
0x39: {  	_ = 	snop;
	(pc) =	sbr.ind lr, $3  }
0x3a: {  	_ = 	snop  }
0x3b: {  	_ = 	snop  }
0x3c: {  	p2 =	seq.s32 s10, $0x1;
	s10 =	sld [smem:$0x3FBB]  }
0x3d: {  	_ =	shalt  }
0x3e: {  	_ =	shalt  }
0x3f: {  	_ =	shalt  }
0x40: {  	_ =	shalt  }
0x41: {  	_ =	shalt  }
0x42: {  	_ =	shalt  }
0x43: {  	_ =	shalt  }
0x44: {  	_ =	shalt  }
0x45: {  	_ =	shalt  }
0x46: {  	_ =	shalt  }
0x47: {  	_ =	shalt  }
0x48: {  	_ =	shalt  }
0x49: {  	_ =	shalt  }
0x4a: {  	_ =	shalt  }
0x4b: {  	_ =	shalt  }
0x4c: {  	_ =	shalt  }
0x4d: {  	_ =	shalt  }
0x4e: {  	_ =	shalt  }
0x4f: {  	_ =	shalt  }
0x50: {  	_ =	shalt  }
0x51: {  	_ =	shalt  }
0x52: {  	_ =	shalt  }
0x53: {  	_ =	shalt  }
0x54: {  	_ =	shalt  }
0x55: {  	_ =	shalt  }
0x56: {  	_ =	shalt  }
0x57: {  	_ =	shalt  }
0x58: {  	_ =	shalt  }
0x59: {  	_ =	shalt  }
0x5a: {  	_ =	shalt  }
0x5b: {  	_ =	shalt  }
0x5c: {  	_ =	shalt  }
0x5d: {  	_ =	shalt  }
0x5e: {  	_ =	shalt  }
0x5f: {  	_ =	shalt  }
0x60: {  	_ =	shalt  }
0x61: {  	_ =	shalt  }
0x62: {  	_ =	shalt  }
0x63: {  	_ =	shalt  }
0x64: {  	_ =	shalt  }
0x65: {  	_ =	shalt  }
0x66: {  	_ =	shalt  }
0x67: {  	_ =	shalt  }
0x68: {  	_ =	shalt  }
0x69: {  	_ =	shalt  }
0x6a: {  	_ =	shalt  }
0x6b: {  	_ =	shalt  }
0x6c: {  	_ =	shalt  }
0x6d: {  	_ =	shalt  }
0x6e: {  	_ =	shalt  }
0x6f: {  	_ =	shalt  }
0x70: {  	_ =	shalt  }
0x71: {  	_ =	shalt  }
0x72: {  	_ =	shalt  }
0x73: {  	_ =	shalt  }
0x74: {  	_ =	shalt  }
0x75: {  	_ =	shalt  }
0x76: {  	_ =	shalt  }
0x77: {  	_ =	shalt  }
0x78: {  	_ =	shalt  }
0x79: {  	_ =	shalt  }
0x7a: {  	_ =	shalt  }
0x7b: {  	_ =	shalt  }
0x7c: {  	_ =	shalt  }
0x7d: {  	_ =	shalt  }
0x7e: {  	_ =	shalt  }
0x7f: {  	_ =	shalt  }
0x80: {  	_ =	shalt  }
0x81: {  	_ =	shalt  }
0x82: {  	_ =	shalt  }
0x83: {  	_ =	shalt  }
0x84: {  	_ =	shalt  }
0x85: {  	_ =	shalt  }
0x86: {  	_ =	shalt  }
0x87: {  	_ =	shalt  }
.Lfunc_end0:
.L_simem_size_0:
called_computation_lowered:
.L_overlay_start_0:
0x88: {  	s2 =	sld [smem:$0x3FD9]  }
0x89: {  	s3 =	sld [smem:$0x3FFE];
	_ =	sdelay $0x1  }
0x8a: {  	s1 =	srdreg.scid  }
0x8b: {  	s0 =	sand.u32 $0x1, s1  }
0x8c: {  	s17 =	sshll.u32 s0, $0xA;
	s2 =	sadd.s32 s3, s2  }
0x8d: {  	s2 =	sadd.s32 s2, s17  }
0x8e: {  	[smem:$0x3FC7] =	sst s2  }
0x8f: {  	_ = 	snop  }
0x90: {  	s2 =	sld [smem:$0x3FC9];
	(tm) =	ssettm $0x1  }
0x91: {  	s18 =	sld [smem:$0x3FFB];
	_ =	sdelay $0x3  }
0x92: {  	_ =	strace s18  }
0x93: {  	s3 =	sld [smem:$0x3FFC];
	_ =	sdelay $0x3  }
0x94: {  	_ =	strace s3  }
0x95: {  	s3 =	sld [smem:$0x3FFD];
	_ =	sdelay $0x3  }
0x96: {  	_ =	strace s3  }
0x97: {  	_ =	strace $0x8FFFFFFF  }
0x98: {  	s19 =	sld [smem:$0x3FDB];
	_ =	sdelay $0x1  }
0x99: {  	s4 =	simm.s32 $_scs_section_size  }
0x9a: {  	s5 =	simm.s32 $_size__tile_overlayer_lowered;
	s6 =	simm.s32 $_tile_overlayer_lowered  }
0x9b: {  	s22 =	simm.s32 $0x1BFF;
	s21 =	sshll.u32 s6, $0x1;
	s3 =	sadd.s32 s4, s19  }
0x9c: {  	s7 =	simm.s32 $0x0;
	s20 =	sshll.u32 s5, $0x1;
	s5 =	sadd.s32 s21, s3  }
0x9d: {  	[timem:s7], [sflag:s22] =	dma.local [hbm:s5], s20  }
0x9e: {  	_ =	swait.ge [sflag:s22], s20  }
0x9f: {  	s4 =	ssub.s32 $0x0, s20;
	[sflag:s22] =	ssyncset.done $0x0  }
0xa0: {  	[sflag:s22] =	ssyncadd.s32 s4;
	_ =	sdelay $0x1  }
0xa1: {  	s23 =	simm.s32 $0x1B8B  }
0xa2: {  	_ =	swait.ge [sflag:s23], $0x1  }
0xa3: {  	[sflag:s23] =	ssyncset.done $0x0  }
0xa4: {  	s25 =	simm.s32 $0x1B8E;
	s24 =	sld [smem:$0x3FFE];
	[sflag:s23] =	ssyncadd.s32 $0xFFFFFFFF  }
0xa5: {  	s26 =	simm.s32 $execute0_lowered;
	[smem:$0x3FD2] =	sst s25  }
0xa6: {  	s5 =	sshll.u32 s26, $0x1;
	_ =	strace $0x80000046;
	[dreg:$0x1] =	wrdreg $0xFFFFFFFF  }
0xa7: {  	s28 =	simm.s32 $_size_execute0_lowered;
	s3 =	sadd.s32 s3, s5;
	[dreg:$0x0] =	wrdreg $0x0  }
0xa8: {  	s5 =	sshll.u32 s28, $0x1;
	[dreg:$0x2] =	wrdreg s3  }
0xa9: {  	[dreg:$0x3] =	wrdreg s5  }
0xaa: {  	[dreg:$0x4] =	wrdreg $0xC0  }
0xab: {  	_ =	task [dreg:s7], $0x5FFFF  }
0xac: {  	[dreg:$0x1] =	wrdreg $0xFFFFFFFF  }
0xad: {  	[dreg:$0x0] =	wrdreg $0x60  }
0xae: {  	[dreg:$0x2] =	wrdreg s2  }
0xaf: {  	[dreg:$0x3] =	wrdreg s24  }
0xb0: {  	[dreg:$0x4] =	wrdreg $0x9  }
0xb1: {  	_ =	task.clear_ibuf [dreg:s7], $0x5FFFF;
	_ =	strace $0x90000046  }
0xb2: {  	s29 =	simm.s32 $0x9;
	_ =	strace $0x80000048  }
0xb3: {  	_ =	swait.ge [sflag:s29], $0x1  }
0xb4: {  	[sflag:s29] =	ssyncadd.s32 $0xFFFFFFFF  }
0xb5: {  	_ =	strace $0x90000048  }
0xb6: {  	_ =	sfence  }
0xb7: {  	s30 =	sld [smem:$0x0];
	_ =	sdelay $0x2  }
0xb8: {  	s31 =	sshll.u32 s1, $0xD;
	s1 =	sshrl.u32 s1, $0x2  }
0xb9: {  	s3 =	sand.u32 $0x4000, s31;
	s1 =	sadd.s32 s1, s30  }
0xba: {  	s0 =	sor.u32 s3, s0;
	s1 =	sshll.u32 s1, $0x11  }
0xbb: {  	s0 =	sor.u32 s1, s0  }
0xbc: {  	s0 =	sadd.s32 $0x8F2B, s0  }
0xbd: {  	[sflag:s0] =	ssyncadd.remote.s32 $0x1  }
0xbe: {  	_ =	sfence.sel $0xFFFF  }
0xbf: {  	[dreg:$0x0] =	wrdreg $0xFFFFFFFF;
	(pc) =	sbr.abs _section_cstart, $3  }
0xc0: {  	[dreg:$0x1] =	wrdreg $0xFFFFFFFF  }
0xc1: {  	_ =	task.clear_ibuf [dreg:s7], $0x2FFFF;
	_ =	strace $0x9FFFFFFF  }
0xc2: {  	(tm) =	ssettm $0x7FFFFFFF  }
0xc3: {  	_ =	shalt  }
tec
execute0_lowered:
.L_overlay_start_1:
0x0: {  	(tag) =	ssettag $0x1  }
0x1: {  	s1 =	srdreg.scid;
	s0 =	stileid.u32  }
0x2: {  	s8 =	sand.u32 $0x1, s1;
	s29 =	sshll.u32 s0, $0x1  }
0x3: {  	s30 =	sshrl.u32 s0, $0x1;
	s9 =	sor.u32 s8, s29  }
0x4: {  	s3 =	smul.u32 $0xC3800, s30;
	s2 =	sand.u32 $0x3, s9  }
0x5: {  	s5 =	smul.u32 $0x30000, s2  }
0x6: {  	s4 =	rddreg [dreg:$0x0]  }
0x7: {  	s10 =	rddreg [dreg:$0x1];
	s2 =	simm.s32 $0x0;
	s3 =	sadd.s32 s3, s5  }
0x8: {  	[smem:$0x7FF] =	sst s2;
	s3 =	sshrl.u32 s3, $0x3  }
0x9: {  	s1 =	rddreg [dreg:$0x2];
	_ =	strace $0x80000047;
	s3 =	sadd.s32 s4, s3  }
0xa: {  	[tilespmem:s2], [sflag:$0x1] =	stream.linear.gather [hbm4b:s3+s2], $0xC000, $0x38;
	[tilespmem:$0xC000] =	vst v63  }
0xb: {  	s4 =	sadd.s32 $0x1800, s3  }
0xc: {  	[tilespmem:s2], [sflag:$0x1] =	stream.linear.gather [hbm4b:s4+s2], $0xC000, $0x38;
	[tilespmem:$0xC000] =	vst v63  }
0xd: {  	s5 =	sadd.s32 $0x3000, s3  }
0xe: {  	[tilespmem:s2], [sflag:$0x1] =	stream.linear.gather [hbm4b:s5+s2], $0xC000, $0x38;
	[tilespmem:$0xC000] =	vst v63  }
0xf: {  	s7 =	simm.s32 $0x1;
	s6 =	sadd.s32 $0x4800, s3  }
0x10: {  	[tilespmem:s2], [sflag:$0x1] =	stream.linear.gather [hbm4b:s6+s2], $0xC000, $0x38;
	[tilespmem:$0xC000] =	vst v63  }
0x11: {  	_ =	swait.ge [sflag:s7], $0xC000  }
0x12: {  	[sflag:s7] =	ssyncset.done $0x0  }
0x13: {  	[sflag:s7] =	ssyncadd.s32 $0xFFFF4000  }
0x14: {  	_ =	swait.ge [sflag:s7], $0xC000  }
0x15: {  	[sflag:s7] =	ssyncset.done $0x0  }
0x16: {  	s8 =	ssub.s32 $0x2, s8;
	[sflag:s7] =	ssyncadd.s32 $0xFFFF4000  }
0x17: {  	s9 =	sshll.u32 s9, $0x1;
	s31 =	sshrl.u32 s8, $0x1;
	_ =	swait.ge [sflag:s7], $0xC000  }
0x18: {  	s9 =	sadd.s32 s9, s10;
	s10 =	ssub.s32 s8, s31;
	[sflag:s7] =	ssyncset.done $0x0  }
0x19: {  	s10 =	smax.u32 s10, $0x1;
	[sflag:s7] =	ssyncadd.s32 $0xFFFF4000  }
0x1a: {  	p0 =	sne.s32 s10, $0x1;
	_ =	swait.ge [sflag:s7], $0xC000  }
.Ltmp0:
0x1b: {  	[sflag:s7] =	ssyncset.done $0x0;
	(pc) =	sbr.rel @!p0 .LBB2_2-.Ltmp0, $4  }
0x1c: {  	s8 =	sadd.s32 $0x600, s9;
	s9 =	simm.s32 $0x2;
	[sflag:s7] =	ssyncadd.s32 $0xFFFF4000  }
0x1d: {  	[hbm4b:s8+s2] =	stream.linear.scatter [tilespmem:s2], [sflag:$0x2], $0x10, $0x38;
	[tilespmem:$0xC000] =	vst v63  }
0x1e: {  	_ =	swait.ge [sflag:s9], $0x10  }
0x1f: {  	s10 =	sadd.s32 $0xFFFFFFFF, s10;
	[sflag:s9] =	ssyncset.done $0x0  }
.LBB2_1:
0x20: {  	p0 =	sne.s32 s10, $0x1;
	s10 =	sadd.s32 $0xFFFFFFFF, s10;
	[sflag:s9] =	ssyncadd.s32 $0xFFFFFFF0  }
0x21: {  	[tilespmem:s2], [sflag:$0x1] =	stream.linear.gather [hbm4b:s3+s2], $0xC000, $0x38;
	[tilespmem:$0xC000] =	vst v63  }
0x22: {  	_ = 	snop  }
0x23: {  	[tilespmem:s2], [sflag:$0x1] =	stream.linear.gather [hbm4b:s4+s2], $0xC000, $0x38;
	[tilespmem:$0xC000] =	vst v63  }
0x24: {  	_ = 	snop  }
0x25: {  	[tilespmem:s2], [sflag:$0x1] =	stream.linear.gather [hbm4b:s5+s2], $0xC000, $0x38;
	[tilespmem:$0xC000] =	vst v63  }
0x26: {  	_ = 	snop  }
0x27: {  	[tilespmem:s2], [sflag:$0x1] =	stream.linear.gather [hbm4b:s6+s2], $0xC000, $0x38;
	[tilespmem:$0xC000] =	vst v63  }
0x28: {  	_ =	swait.ge [sflag:s7], $0xC000  }
0x29: {  	[sflag:s7] =	ssyncset.done $0x0  }
0x2a: {  	[sflag:s7] =	ssyncadd.s32 $0xFFFF4000  }
0x2b: {  	_ =	swait.ge [sflag:s7], $0xC000  }
0x2c: {  	[sflag:s7] =	ssyncset.done $0x0  }
0x2d: {  	[sflag:s7] =	ssyncadd.s32 $0xFFFF4000  }
0x2e: {  	_ =	swait.ge [sflag:s7], $0xC000  }
0x2f: {  	[sflag:s7] =	ssyncset.done $0x0  }
0x30: {  	[sflag:s7] =	ssyncadd.s32 $0xFFFF4000  }
0x31: {  	_ =	swait.ge [sflag:s7], $0xC000  }
.Ltmp1:
0x32: {  	[sflag:s7] =	ssyncset.done $0x0;
	(pc) =	sbr.rel @p0 .LBB2_1-.Ltmp1, $4  }
0x33: {  	[sflag:s7] =	ssyncadd.s32 $0xFFFF4000  }
0x34: {  	[hbm4b:s8+s2] =	stream.linear.scatter [tilespmem:s2], [sflag:$0x2], $0x10, $0x38;
	[tilespmem:$0xC000] =	vst v63  }
0x35: {  	_ =	swait.ge [sflag:s9], $0x10  }
0x36: {  	[sflag:s9] =	ssyncset.done $0x0  }
.LBB2_2:
0x37: {  	[sflag:s9] =	ssyncadd.s32 $0xFFFFFFF0  }
0x38: {  	_ =	sfence.sel $0x180000  }
0x39: {  	[bflag:$0x0] =	sbarrier.arrive $0xFFFF  }
0x3a: {  	p0 =	sne.s32 s0, $0x0;
	_ =	strace $0x90000047  }
0x3b: {  	s0 =	sadd.s32 @!p0 $0x100000, s1;
	[bflag:$0x2] =	sbarrier.arrive $0xFFFF  }
0x3c: {  	[sflag:s0] =	ssyncadd.tile.s32 @!p0 $0x1;
	_ =	shalt  }
.Lfunc_end2:
_tile_overlayer_lowered:
.L_overlay_start_2:
0x3d: {  	(tag) =	ssettag $0x2  }
0x3e: {  	s0 =	rddreg [dreg:$0x0];
	s2 =	stileid.u32  }
0x3f: {  	s1 =	rddreg [dreg:$0x1];
	p0 =	sne.s32 s2, $0x0  }
0x40: {  	s3 =	rddreg [dreg:$0x2];
	[bflag:$0x3] =	sbarrier.arrive $0xFFFF;
	s2 =	simm.s32 @!p0 $0x1C02  }
0x41: {  	[timem:s3], [sflag:s2] =	dma.local @!p0 [hbm:s0], s1  }
0x42: {  	s0 =	simm.s32 @!p0 $0x2  }
0x43: {  	_ =	swait.ge @!p0 [sflag:s0], s1  }
0x44: {  	s1 =	ssub.s32 @!p0 $0x0, s1;
	[sflag:s0] =	ssyncset.done @!p0 $0x0  }
0x45: {  	[sflag:s0] =	ssyncadd.s32 @!p0 s1  }
0x46: {  	[bflag:$0x3] =	sbarrier.arrive $0xFFFF  }
0x47: {  	_ =	shalt  }

</sc_bundles>
